<compile_context>
chip_gen: v7x
topology: tpu7x:2x2x1
jax: 0.10.2.dev20260603
libtpu: 0.0.44.dev20260713+nightly
codegen_flags: <defaults>
</compile_context>

<pallas_src>
import functools

import jax
import jax.numpy as jnp
from jax import lax
from jax.experimental import pallas as pl
from jax.experimental.pallas import tpu as pltpu
from jax.experimental.pallas import tpu_sc as plsc

EMBED = 32
BATCH = 16384
NC, NS = 2, 16
NW = NC * NS
PW = BATCH // NW
NBUF = 8


@functools.partial(
    pl.kernel,
    mesh=plsc.VectorSubcoreMesh(core_axis_name="c", subcore_axis_name="s"),
    out_type=jax.ShapeDtypeStruct((EMBED, BATCH), jnp.float32),
    scratch_types=[
        pltpu.VMEM((PW + 16,), jnp.int32),
        pltpu.VMEM((NBUF, EMBED, 128), jnp.float32),
        pltpu.VMEM((EMBED, PW), jnp.float32),
        pltpu.SemaphoreType.DMA,
    ],
    compiler_params=pltpu.CompilerParams(
        use_tc_tiling_on_sc=True, needs_layout_passes=False),
)
def _gather_sc(idx_hbm, tab_hbm, out_hbm, idx_v, blk_v, out_v, sem):
    wid = lax.axis_index("s") * NC + lax.axis_index("c")
    base = wid * PW
    pltpu.sync_copy(idx_hbm.at[pl.ds(base, PW)], idx_v.at[pl.ds(0, PW)])

    row_lo = lax.iota(jnp.int32, 16)
    row_hi = row_lo + 16

    def idx_at(k):
        return idx_v[pl.ds(k, 16)][0]

    def fire(k, slot):
        start = pl.multiple_of((idx_at(k) >> 7) * 128, 128)
        pltpu.async_copy(
            tab_hbm.at[:, pl.ds(start, 128)], blk_v.at[slot], sem)

    for b in range(NBUF):
        fire(b, b)

    def body(k, carry):
        slot = lax.rem(k, NBUF)
        pltpu.make_async_copy(
            tab_hbm.at[:, pl.ds(0, 128)], blk_v.at[slot], sem).wait()
        li = jnp.broadcast_to(idx_at(k) & 127, (16,))
        sv = jnp.broadcast_to(slot, (16,))
        col = jnp.broadcast_to(k, (16,))
        lo = plsc.load_gather(blk_v, [sv, row_lo, li])
        hi = plsc.load_gather(blk_v, [sv, row_hi, li])
        plsc.store_scatter(out_v, [row_lo, col], lo)
        plsc.store_scatter(out_v, [row_hi, col], hi)

        @pl.when(k + NBUF < PW)
        def _():
            fire(k + NBUF, slot)

        return carry

    lax.fori_loop(0, PW, body, 0)
    pltpu.sync_copy(out_v, out_hbm.at[:, pl.ds(base, PW)])


def kernel(indices, table):
    tab_t = jnp.swapaxes(table, 0, 1)
    idx = indices.reshape(BATCH).astype(jnp.int32)
    out_t = _gather_sc(idx, tab_t)
    return jnp.swapaxes(out_t, 0, 1).reshape(1, BATCH, EMBED)

# --- scband reference (transcript-rebuilt; emitter-appended) ---
"""Pipeline reference for scband-word2-vec-31550829757119 (READ-ONLY COPY).

The authoritative reference and input builder live on the scoring server;
editing this copy changes nothing except your own understanding.
"""

import jax, jax.numpy as jnp
import numpy as np

VOCAB = 1000000
EMBED_DIM = 32

def setup_inputs(seed: int = 0) -> dict:
    key = jax.random.key(seed)
    k_idx, k_tab = jax.random.split(key)
    indices = jax.random.randint(k_idx, (1, 16384), 0, VOCAB, dtype=jnp.int64 if jax.config.jax_enable_x64 else jnp.int32)
    table = jax.random.normal(k_tab, (VOCAB, EMBED_DIM), dtype=jnp.float32) * 0.02
    return {"indices": indices, "table": table}

def reference(indices, table):
    # Word2Vec.forward: list of words -> indices -> embedding lookup -> (1, n, emb_dim)
    out = jnp.take(table, indices, axis=0)
    return out

if __name__ == "__main__":
    import jax
    _d = setup_inputs()
    print(jax.jit(kernel)(*tuple(_d.values())))

</pallas_src>

<mosaic_0001>
#map = affine_map<(d0, d1) -> (0)>
#map1 = affine_map<(d0, d1) -> (0, 0)>
module attributes {stable_mosaic.version = 14 : i64} {
  func.func @_gather_sc(%arg0: i32, %arg1: i32, %arg2: memref<16384xi32, #tpu.memory_space<hbm>>, %arg3: memref<32x1000000xf32, #tpu.memory_space<hbm>>, %arg4: memref<32x16384xf32, #tpu.memory_space<hbm>>, %arg5: memref<528xi32, #tpu.memory_space<vmem>>, %arg6: memref<8x32x128xf32, #tpu.memory_space<vmem>>, %arg7: memref<32x512xf32, #tpu.memory_space<vmem>>, %arg8: memref<!tpu.dma_semaphore, #tpu.memory_space<semaphore_mem>>) attributes {dimension_semantics = [#tpu.dimension_semantics<core_parallel>, #tpu.dimension_semantics<subcore_parallel>], iteration_bounds = array<i64: 2, 16>, scalar_prefetch = 0 : i64, scratch_operands = 4 : i64, tpu.core_type = #tpu.core_type<sc_vector_subcore>, window_params = [{transform_indices = #map}, {transform_indices = #map1}, {transform_indices = #map1}]} {
    %mul3A = arith.constant 2 : i32
    %mul3A_0 = arith.muli %arg1, %mul3A : i32
    %add3A = arith.addi %mul3A_0, %arg0 : i32
    %mul3A_1 = arith.constant 512 : i32
    %mul3A_2 = arith.muli %add3A, %mul3A_1 : i32
    "tpu.region"() ({
      %run_scoped3A = tpu.sem_alloc : memref<!tpu.dma_semaphore, #tpu.memory_space<semaphore_mem>>
      %dma_start3A_181 = arith.constant 0 : i32
      %dma_start3A_182 = tpu.memref_slice %arg5[%dma_start3A_181] : memref<528xi32, #tpu.memory_space<vmem>> -> memref<512xi32, #tpu.memory_space<vmem>>
      %dma_start3A_183 = tpu.memref_slice %arg2[%mul3A_2] : memref<16384xi32, #tpu.memory_space<hbm>> -> memref<512xi32, #tpu.memory_space<hbm>>
      %dma_start3A_184 = arith.constant 0 : i32
      %dma_start3A_185 = tpu.memref_slice %arg5[%dma_start3A_184] : memref<528xi32, #tpu.memory_space<vmem>> -> memref<512xi32, #tpu.memory_space<vmem>>
      %dma_start3A_186 = tpu.memref_slice %arg2[%mul3A_2] : memref<16384xi32, #tpu.memory_space<hbm>> -> memref<512xi32, #tpu.memory_space<hbm>>
      tpu.enqueue_dma source(%dma_start3A_186 : memref<512xi32, #tpu.memory_space<hbm>>) target(%dma_start3A_185 : memref<512xi32, #tpu.memory_space<vmem>>) target_semaphore(%run_scoped3A : memref<!tpu.dma_semaphore, #tpu.memory_space<semaphore_mem>>)
      %dma_wait3A = arith.constant 0 : i32
      %dma_wait3A_187 = tpu.memref_slice %arg5[%dma_wait3A] : memref<528xi32, #tpu.memory_space<vmem>> -> memref<512xi32, #tpu.memory_space<vmem>>
      %dma_wait3A_188 = tpu.memref_slice %arg2[%mul3A_2] : memref<16384xi32, #tpu.memory_space<hbm>> -> memref<512xi32, #tpu.memory_space<hbm>>
      %dma_wait3A_189 = arith.constant 0 : i32
      %dma_wait3A_190 = tpu.memref_slice %arg5[%dma_wait3A_189] : memref<528xi32, #tpu.memory_space<vmem>> -> memref<512xi32, #tpu.memory_space<vmem>>
      %dma_wait3A_191 = tpu.memref_slice %arg2[%mul3A_2] : memref<16384xi32, #tpu.memory_space<hbm>> -> memref<512xi32, #tpu.memory_space<hbm>>
      tpu.wait_dma2 semaphore(%run_scoped3A : memref<!tpu.dma_semaphore, #tpu.memory_space<semaphore_mem>>) src(%dma_wait3A_191 : memref<512xi32, #tpu.memory_space<hbm>>) dst(%dma_wait3A_190 : memref<512xi32, #tpu.memory_space<vmem>>)
      tpu.yield
    }) : () -> ()
    %iota3A = tpu.iota {dimensions = array<i32: 0>} : vector<16xi32>
    %add3A_3 = arith.constant 16 : i32
    %add3A_4 = vector.broadcast %add3A_3 : i32 to vector<16xi32>
    %add3A_5 = arith.addi %iota3A, %add3A_4 : vector<16xi32>
    %get3A = arith.constant 0 : index
    %get3A_6 = tpu.vector_load %arg5[%get3A] {strides = array<i32>} : memref<528xi32, #tpu.memory_space<vmem>>, vector<16xi32>,
    %slice3A = vector.extract_strided_slice %get3A_6 {offsets = [0], sizes = [1], strides = [1]} : vector<16xi32> to vector<1xi32>
    %squeeze3A = vector.extract %slice3A[0] : i32 from vector<1xi32>
    %shift_right_arithmetic3A = arith.constant 7 : i32
    %shift_right_arithmetic3A_7 = arith.shrsi %squeeze3A, %shift_right_arithmetic3A : i32
    %mul3A_8 = arith.constant 128 : i32
    %mul3A_9 = arith.muli %shift_right_arithmetic3A_7, %mul3A_8 : i32
    %multiple_of3A = tpu.assume_multiple %mul3A_9, 128 : i32
    %dma_start3A = arith.constant 0 : i32
    %dma_start3A_10 = arith.constant 0 : i32
    %dma_start3A_11 = arith.constant 0 : i32
    %dma_start3A_12 = tpu.memref_slice %arg6[%dma_start3A, %dma_start3A_10, %dma_start3A_11] : memref<8x32x128xf32, #tpu.memory_space<vmem>> -> memref<1x32x128xf32, #tpu.memory_space<vmem>>
    %dma_start3A_13 = tpu.memref_squeeze %dma_start3A_12 : memref<1x32x128xf32, #tpu.memory_space<vmem>> -> memref<32x128xf32, #tpu.memory_space<vmem>>
    %dma_start3A_14 = arith.constant 0 : i32
    %dma_start3A_15 = tpu.memref_slice %arg3[%dma_start3A_14, %multiple_of3A] : memref<32x1000000xf32, #tpu.memory_space<hbm>> -> memref<32x128xf32, #tpu.memory_space<hbm>>
    %dma_start3A_16 = arith.constant 0 : i32
    %dma_start3A_17 = arith.constant 0 : i32
    %dma_start3A_18 = tpu.memref_slice %arg6[%dma_start3A, %dma_start3A_16, %dma_start3A_17] : memref<8x32x128xf32, #tpu.memory_space<vmem>> -> memref<1x32x128xf32, #tpu.memory_space<vmem>>
    %dma_start3A_19 = tpu.memref_squeeze %dma_start3A_18 : memref<1x32x128xf32, #tpu.memory_space<vmem>> -> memref<32x128xf32, #tpu.memory_space<vmem>>
    %dma_start3A_20 = arith.constant 0 : i32
    %dma_start3A_21 = tpu.memref_slice %arg3[%dma_start3A_20, %multiple_of3A] : memref<32x1000000xf32, #tpu.memory_space<hbm>> -> memref<32x128xf32, #tpu.memory_space<hbm>>
    tpu.enqueue_dma source(%dma_start3A_21 : memref<32x128xf32, #tpu.memory_space<hbm>>) target(%dma_start3A_19 : memref<32x128xf32, #tpu.memory_space<vmem>>) target_semaphore(%arg8 : memref<!tpu.dma_semaphore, #tpu.memory_space<semaphore_mem>>)
    %get3A_22 = arith.constant 1 : index
    %get3A_23 = tpu.vector_load %arg5[%get3A_22] {strides = array<i32>} : memref<528xi32, #tpu.memory_space<vmem>>, vector<16xi32>,
    %slice3A_24 = vector.extract_strided_slice %get3A_23 {offsets = [0], sizes = [1], strides = [1]} : vector<16xi32> to vector<1xi32>
    %squeeze3A_25 = vector.extract %slice3A_24[0] : i32 from vector<1xi32>
    %shift_right_arithmetic3A_26 = arith.constant 7 : i32
    %shift_right_arithmetic3A_27 = arith.shrsi %squeeze3A_25, %shift_right_arithmetic3A_26 : i32
    %mul3A_28 = arith.constant 128 : i32
    %mul3A_29 = arith.muli %shift_right_arithmetic3A_27, %mul3A_28 : i32
    %multiple_of3A_30 = tpu.assume_multiple %mul3A_29, 128 : i32
    %dma_start3A_31 = arith.constant 1 : i32
    %dma_start3A_32 = arith.constant 0 : i32
    %dma_start3A_33 = arith.constant 0 : i32
    %dma_start3A_34 = tpu.memref_slice %arg6[%dma_start3A_31, %dma_start3A_32, %dma_start3A_33] : memref<8x32x128xf32, #tpu.memory_space<vmem>> -> memref<1x32x128xf32, #tpu.memory_space<vmem>>
    %dma_start3A_35 = tpu.memref_squeeze %dma_start3A_34 : memref<1x32x128xf32, #tpu.memory_space<vmem>> -> memref<32x128xf32, #tpu.memory_space<vmem>>
    %dma_start3A_36 = arith.constant 0 : i32
    %dma_start3A_37 = tpu.memref_slice %arg3[%dma_start3A_36, %multiple_of3A_30] : memref<32x1000000xf32, #tpu.memory_space<hbm>> -> memref<32x128xf32, #tpu.memory_space<hbm>>
    %dma_start3A_38 = arith.constant 0 : i32
    %dma_start3A_39 = arith.constant 0 : i32
    %dma_start3A_40 = tpu.memref_slice %arg6[%dma_start3A_31, %dma_start3A_38, %dma_start3A_39] : memref<8x32x128xf32, #tpu.memory_space<vmem>> -> memref<1x32x128xf32, #tpu.memory_space<vmem>>
    %dma_start3A_41 = tpu.memref_squeeze %dma_start3A_40 : memref<1x32x128xf32, #tpu.memory_space<vmem>> -> memref<32x128xf32, #tpu.memory_space<vmem>>
    %dma_start3A_42 = arith.constant 0 : i32
    %dma_start3A_43 = tpu.memref_slice %arg3[%dma_start3A_42, %multiple_of3A_30] : memref<32x1000000xf32, #tpu.memory_space<hbm>> -> memref<32x128xf32, #tpu.memory_space<hbm>>
    tpu.enqueue_dma source(%dma_start3A_43 : memref<32x128xf32, #tpu.memory_space<hbm>>) target(%dma_start3A_41 : memref<32x128xf32, #tpu.memory_space<vmem>>) target_semaphore(%arg8 : memref<!tpu.dma_semaphore, #tpu.memory_space<semaphore_mem>>)
    %get3A_44 = arith.constant 2 : index
    %get3A_45 = tpu.vector_load %arg5[%get3A_44] {strides = array<i32>} : memref<528xi32, #tpu.memory_space<vmem>>, vector<16xi32>,
    %slice3A_46 = vector.extract_strided_slice %get3A_45 {offsets = [0], sizes = [1], strides = [1]} : vector<16xi32> to vector<1xi32>
    %squeeze3A_47 = vector.extract %slice3A_46[0] : i32 from vector<1xi32>
    %shift_right_arithmetic3A_48 = arith.constant 7 : i32
    %shift_right_arithmetic3A_49 = arith.shrsi %squeeze3A_47, %shift_right_arithmetic3A_48 : i32
    %mul3A_50 = arith.constant 128 : i32
    %mul3A_51 = arith.muli %shift_right_arithmetic3A_49, %mul3A_50 : i32
    %multiple_of3A_52 = tpu.assume_multiple %mul3A_51, 128 : i32
    %dma_start3A_53 = arith.constant 2 : i32
    %dma_start3A_54 = arith.constant 0 : i32
    %dma_start3A_55 = arith.constant 0 : i32
    %dma_start3A_56 = tpu.memref_slice %arg6[%dma_start3A_53, %dma_start3A_54, %dma_start3A_55] : memref<8x32x128xf32, #tpu.memory_space<vmem>> -> memref<1x32x128xf32, #tpu.memory_space<vmem>>
    %dma_start3A_57 = tpu.memref_squeeze %dma_start3A_56 : memref<1x32x128xf32, #tpu.memory_space<vmem>> -> memref<32x128xf32, #tpu.memory_space<vmem>>
    %dma_start3A_58 = arith.constant 0 : i32
    %dma_start3A_59 = tpu.memref_slice %arg3[%dma_start3A_58, %multiple_of3A_52] : memref<32x1000000xf32, #tpu.memory_space<hbm>> -> memref<32x128xf32, #tpu.memory_space<hbm>>
    %dma_start3A_60 = arith.constant 0 : i32
    %dma_start3A_61 = arith.constant 0 : i32
    %dma_start3A_62 = tpu.memref_slice %arg6[%dma_start3A_53, %dma_start3A_60, %dma_start3A_61] : memref<8x32x128xf32, #tpu.memory_space<vmem>> -> memref<1x32x128xf32, #tpu.memory_space<vmem>>
    %dma_start3A_63 = tpu.memref_squeeze %dma_start3A_62 : memref<1x32x128xf32, #tpu.memory_space<vmem>> -> memref<32x128xf32, #tpu.memory_space<vmem>>
    %dma_start3A_64 = arith.constant 0 : i32
    %dma_start3A_65 = tpu.memref_slice %arg3[%dma_start3A_64, %multiple_of3A_52] : memref<32x1000000xf32, #tpu.memory_space<hbm>> -> memref<32x128xf32, #tpu.memory_space<hbm>>
    tpu.enqueue_dma source(%dma_start3A_65 : memref<32x128xf32, #tpu.memory_space<hbm>>) target(%dma_start3A_63 : memref<32x128xf32, #tpu.memory_space<vmem>>) target_semaphore(%arg8 : memref<!tpu.dma_semaphore, #tpu.memory_space<semaphore_mem>>)
    %get3A_66 = arith.constant 3 : index
    %get3A_67 = tpu.vector_load %arg5[%get3A_66] {strides = array<i32>} : memref<528xi32, #tpu.memory_space<vmem>>, vector<16xi32>,
    %slice3A_68 = vector.extract_strided_slice %get3A_67 {offsets = [0], sizes = [1], strides = [1]} : vector<16xi32> to vector<1xi32>
    %squeeze3A_69 = vector.extract %slice3A_68[0] : i32 from vector<1xi32>
    %shift_right_arithmetic3A_70 = arith.constant 7 : i32
    %shift_right_arithmetic3A_71 = arith.shrsi %squeeze3A_69, %shift_right_arithmetic3A_70 : i32
    %mul3A_72 = arith.constant 128 : i32
    %mul3A_73 = arith.muli %shift_right_arithmetic3A_71, %mul3A_72 : i32
    %multiple_of3A_74 = tpu.assume_multiple %mul3A_73, 128 : i32
    %dma_start3A_75 = arith.constant 3 : i32
    %dma_start3A_76 = arith.constant 0 : i32
    %dma_start3A_77 = arith.constant 0 : i32
    %dma_start3A_78 = tpu.memref_slice %arg6[%dma_start3A_75, %dma_start3A_76, %dma_start3A_77] : memref<8x32x128xf32, #tpu.memory_space<vmem>> -> memref<1x32x128xf32, #tpu.memory_space<vmem>>
    %dma_start3A_79 = tpu.memref_squeeze %dma_start3A_78 : memref<1x32x128xf32, #tpu.memory_space<vmem>> -> memref<32x128xf32, #tpu.memory_space<vmem>>
    %dma_start3A_80 = arith.constant 0 : i32
    %dma_start3A_81 = tpu.memref_slice %arg3[%dma_start3A_80, %multiple_of3A_74] : memref<32x1000000xf32, #tpu.memory_space<hbm>> -> memref<32x128xf32, #tpu.memory_space<hbm>>
    %dma_start3A_82 = arith.constant 0 : i32
    %dma_start3A_83 = arith.constant 0 : i32
    %dma_start3A_84 = tpu.memref_slice %arg6[%dma_start3A_75, %dma_start3A_82, %dma_start3A_83] : memref<8x32x128xf32, #tpu.memory_space<vmem>> -> memref<1x32x128xf32, #tpu.memory_space<vmem>>
    %dma_start3A_85 = tpu.memref_squeeze %dma_start3A_84 : memref<1x32x128xf32, #tpu.memory_space<vmem>> -> memref<32x128xf32, #tpu.memory_space<vmem>>
    %dma_start3A_86 = arith.constant 0 : i32
    %dma_start3A_87 = tpu.memref_slice %arg3[%dma_start3A_86, %multiple_of3A_74] : memref<32x1000000xf32, #tpu.memory_space<hbm>> -> memref<32x128xf32, #tpu.memory_space<hbm>>
    tpu.enqueue_dma source(%dma_start3A_87 : memref<32x128xf32, #tpu.memory_space<hbm>>) target(%dma_start3A_85 : memref<32x128xf32, #tpu.memory_space<vmem>>) target_semaphore(%arg8 : memref<!tpu.dma_semaphore, #tpu.memory_space<semaphore_mem>>)
    %get3A_88 = arith.constant 4 : index
    %get3A_89 = tpu.vector_load %arg5[%get3A_88] {strides = array<i32>} : memref<528xi32, #tpu.memory_space<vmem>>, vector<16xi32>,
    %slice3A_90 = vector.extract_strided_slice %get3A_89 {offsets = [0], sizes = [1], strides = [1]} : vector<16xi32> to vector<1xi32>
    %squeeze3A_91 = vector.extract %slice3A_90[0] : i32 from vector<1xi32>
    %shift_right_arithmetic3A_92 = arith.constant 7 : i32
    %shift_right_arithmetic3A_93 = arith.shrsi %squeeze3A_91, %shift_right_arithmetic3A_92 : i32
    %mul3A_94 = arith.constant 128 : i32
    %mul3A_95 = arith.muli %shift_right_arithmetic3A_93, %mul3A_94 : i32
    %multiple_of3A_96 = tpu.assume_multiple %mul3A_95, 128 : i32
    %dma_start3A_97 = arith.constant 4 : i32
    %dma_start3A_98 = arith.constant 0 : i32
    %dma_start3A_99 = arith.constant 0 : i32
    %dma_start3A_100 = tpu.memref_slice %arg6[%dma_start3A_97, %dma_start3A_98, %dma_start3A_99] : memref<8x32x128xf32, #tpu.memory_space<vmem>> -> memref<1x32x128xf32, #tpu.memory_space<vmem>>
    %dma_start3A_101 = tpu.memref_squeeze %dma_start3A_100 : memref<1x32x128xf32, #tpu.memory_space<vmem>> -> memref<32x128xf32, #tpu.memory_space<vmem>>
    %dma_start3A_102 = arith.constant 0 : i32
    %dma_start3A_103 = tpu.memref_slice %arg3[%dma_start3A_102, %multiple_of3A_96] : memref<32x1000000xf32, #tpu.memory_space<hbm>> -> memref<32x128xf32, #tpu.memory_space<hbm>>
    %dma_start3A_104 = arith.constant 0 : i32
    %dma_start3A_105 = arith.constant 0 : i32
    %dma_start3A_106 = tpu.memref_slice %arg6[%dma_start3A_97, %dma_start3A_104, %dma_start3A_105] : memref<8x32x128xf32, #tpu.memory_space<vmem>> -> memref<1x32x128xf32, #tpu.memory_space<vmem>>
    %dma_start3A_107 = tpu.memref_squeeze %dma_start3A_106 : memref<1x32x128xf32, #tpu.memory_space<vmem>> -> memref<32x128xf32, #tpu.memory_space<vmem>>
    %dma_start3A_108 = arith.constant 0 : i32
    %dma_start3A_109 = tpu.memref_slice %arg3[%dma_start3A_108, %multiple_of3A_96] : memref<32x1000000xf32, #tpu.memory_space<hbm>> -> memref<32x128xf32, #tpu.memory_space<hbm>>
    tpu.enqueue_dma source(%dma_start3A_109 : memref<32x128xf32, #tpu.memory_space<hbm>>) target(%dma_start3A_107 : memref<32x128xf32, #tpu.memory_space<vmem>>) target_semaphore(%arg8 : memref<!tpu.dma_semaphore, #tpu.memory_space<semaphore_mem>>)
    %get3A_110 = arith.constant 5 : index
    %get3A_111 = tpu.vector_load %arg5[%get3A_110] {strides = array<i32>} : memref<528xi32, #tpu.memory_space<vmem>>, vector<16xi32>,
    %slice3A_112 = vector.extract_strided_slice %get3A_111 {offsets = [0], sizes = [1], strides = [1]} : vector<16xi32> to vector<1xi32>
    %squeeze3A_113 = vector.extract %slice3A_112[0] : i32 from vector<1xi32>
    %shift_right_arithmetic3A_114 = arith.constant 7 : i32
    %shift_right_arithmetic3A_115 = arith.shrsi %squeeze3A_113, %shift_right_arithmetic3A_114 : i32
    %mul3A_116 = arith.constant 128 : i32
    %mul3A_117 = arith.muli %shift_right_arithmetic3A_115, %mul3A_116 : i32
    %multiple_of3A_118 = tpu.assume_multiple %mul3A_117, 128 : i32
    %dma_start3A_119 = arith.constant 5 : i32
    %dma_start3A_120 = arith.constant 0 : i32
    %dma_start3A_121 = arith.constant 0 : i32
    %dma_start3A_122 = tpu.memref_slice %arg6[%dma_start3A_119, %dma_start3A_120, %dma_start3A_121] : memref<8x32x128xf32, #tpu.memory_space<vmem>> -> memref<1x32x128xf32, #tpu.memory_space<vmem>>
    %dma_start3A_123 = tpu.memref_squeeze %dma_start3A_122 : memref<1x32x128xf32, #tpu.memory_space<vmem>> -> memref<32x128xf32, #tpu.memory_space<vmem>>
    %dma_start3A_124 = arith.constant 0 : i32
    %dma_start3A_125 = tpu.memref_slice %arg3[%dma_start3A_124, %multiple_of3A_118] : memref<32x1000000xf32, #tpu.memory_space<hbm>> -> memref<32x128xf32, #tpu.memory_space<hbm>>
    %dma_start3A_126 = arith.constant 0 : i32
    %dma_start3A_127 = arith.constant 0 : i32
    %dma_start3A_128 = tpu.memref_slice %arg6[%dma_start3A_119, %dma_start3A_126, %dma_start3A_127] : memref<8x32x128xf32, #tpu.memory_space<vmem>> -> memref<1x32x128xf32, #tpu.memory_space<vmem>>
    %dma_start3A_129 = tpu.memref_squeeze %dma_start3A_128 : memref<1x32x128xf32, #tpu.memory_space<vmem>> -> memref<32x128xf32, #tpu.memory_space<vmem>>
    %dma_start3A_130 = arith.constant 0 : i32
    %dma_start3A_131 = tpu.memref_slice %arg3[%dma_start3A_130, %multiple_of3A_118] : memref<32x1000000xf32, #tpu.memory_space<hbm>> -> memref<32x128xf32, #tpu.memory_space<hbm>>
    tpu.enqueue_dma source(%dma_start3A_131 : memref<32x128xf32, #tpu.memory_space<hbm>>) target(%dma_start3A_129 : memref<32x128xf32, #tpu.memory_space<vmem>>) target_semaphore(%arg8 : memref<!tpu.dma_semaphore, #tpu.memory_space<semaphore_mem>>)
    %get3A_132 = arith.constant 6 : index
    %get3A_133 = tpu.vector_load %arg5[%get3A_132] {strides = array<i32>} : memref<528xi32, #tpu.memory_space<vmem>>, vector<16xi32>,
    %slice3A_134 = vector.extract_strided_slice %get3A_133 {offsets = [0], sizes = [1], strides = [1]} : vector<16xi32> to vector<1xi32>
    %squeeze3A_135 = vector.extract %slice3A_134[0] : i32 from vector<1xi32>
    %shift_right_arithmetic3A_136 = arith.constant 7 : i32
    %shift_right_arithmetic3A_137 = arith.shrsi %squeeze3A_135, %shift_right_arithmetic3A_136 : i32
    %mul3A_138 = arith.constant 128 : i32
    %mul3A_139 = arith.muli %shift_right_arithmetic3A_137, %mul3A_138 : i32
    %multiple_of3A_140 = tpu.assume_multiple %mul3A_139, 128 : i32
    %dma_start3A_141 = arith.constant 6 : i32
    %dma_start3A_142 = arith.constant 0 : i32
    %dma_start3A_143 = arith.constant 0 : i32
    %dma_start3A_144 = tpu.memref_slice %arg6[%dma_start3A_141, %dma_start3A_142, %dma_start3A_143] : memref<8x32x128xf32, #tpu.memory_space<vmem>> -> memref<1x32x128xf32, #tpu.memory_space<vmem>>
    %dma_start3A_145 = tpu.memref_squeeze %dma_start3A_144 : memref<1x32x128xf32, #tpu.memory_space<vmem>> -> memref<32x128xf32, #tpu.memory_space<vmem>>
    %dma_start3A_146 = arith.constant 0 : i32
    %dma_start3A_147 = tpu.memref_slice %arg3[%dma_start3A_146, %multiple_of3A_140] : memref<32x1000000xf32, #tpu.memory_space<hbm>> -> memref<32x128xf32, #tpu.memory_space<hbm>>
    %dma_start3A_148 = arith.constant 0 : i32
    %dma_start3A_149 = arith.constant 0 : i32
    %dma_start3A_150 = tpu.memref_slice %arg6[%dma_start3A_141, %dma_start3A_148, %dma_start3A_149] : memref<8x32x128xf32, #tpu.memory_space<vmem>> -> memref<1x32x128xf32, #tpu.memory_space<vmem>>
    %dma_start3A_151 = tpu.memref_squeeze %dma_start3A_150 : memref<1x32x128xf32, #tpu.memory_space<vmem>> -> memref<32x128xf32, #tpu.memory_space<vmem>>
    %dma_start3A_152 = arith.constant 0 : i32
    %dma_start3A_153 = tpu.memref_slice %arg3[%dma_start3A_152, %multiple_of3A_140] : memref<32x1000000xf32, #tpu.memory_space<hbm>> -> memref<32x128xf32, #tpu.memory_space<hbm>>
    tpu.enqueue_dma source(%dma_start3A_153 : memref<32x128xf32, #tpu.memory_space<hbm>>) target(%dma_start3A_151 : memref<32x128xf32, #tpu.memory_space<vmem>>) target_semaphore(%arg8 : memref<!tpu.dma_semaphore, #tpu.memory_space<semaphore_mem>>)
    %get3A_154 = arith.constant 7 : index
    %get3A_155 = tpu.vector_load %arg5[%get3A_154] {strides = array<i32>} : memref<528xi32, #tpu.memory_space<vmem>>, vector<16xi32>,
    %slice3A_156 = vector.extract_strided_slice %get3A_155 {offsets = [0], sizes = [1], strides = [1]} : vector<16xi32> to vector<1xi32>
    %squeeze3A_157 = vector.extract %slice3A_156[0] : i32 from vector<1xi32>
    %shift_right_arithmetic3A_158 = arith.constant 7 : i32
    %shift_right_arithmetic3A_159 = arith.shrsi %squeeze3A_157, %shift_right_arithmetic3A_158 : i32
    %mul3A_160 = arith.constant 128 : i32
    %mul3A_161 = arith.muli %shift_right_arithmetic3A_159, %mul3A_160 : i32
    %multiple_of3A_162 = tpu.assume_multiple %mul3A_161, 128 : i32
    %dma_start3A_163 = arith.constant 7 : i32
    %dma_start3A_164 = arith.constant 0 : i32
    %dma_start3A_165 = arith.constant 0 : i32
    %dma_start3A_166 = tpu.memref_slice %arg6[%dma_start3A_163, %dma_start3A_164, %dma_start3A_165] : memref<8x32x128xf32, #tpu.memory_space<vmem>> -> memref<1x32x128xf32, #tpu.memory_space<vmem>>
    %dma_start3A_167 = tpu.memref_squeeze %dma_start3A_166 : memref<1x32x128xf32, #tpu.memory_space<vmem>> -> memref<32x128xf32, #tpu.memory_space<vmem>>
    %dma_start3A_168 = arith.constant 0 : i32
    %dma_start3A_169 = tpu.memref_slice %arg3[%dma_start3A_168, %multiple_of3A_162] : memref<32x1000000xf32, #tpu.memory_space<hbm>> -> memref<32x128xf32, #tpu.memory_space<hbm>>
    %dma_start3A_170 = arith.constant 0 : i32
    %dma_start3A_171 = arith.constant 0 : i32
    %dma_start3A_172 = tpu.memref_slice %arg6[%dma_start3A_163, %dma_start3A_170, %dma_start3A_171] : memref<8x32x128xf32, #tpu.memory_space<vmem>> -> memref<1x32x128xf32, #tpu.memory_space<vmem>>
    %dma_start3A_173 = tpu.memref_squeeze %dma_start3A_172 : memref<1x32x128xf32, #tpu.memory_space<vmem>> -> memref<32x128xf32, #tpu.memory_space<vmem>>
    %dma_start3A_174 = arith.constant 0 : i32
    %dma_start3A_175 = tpu.memref_slice %arg3[%dma_start3A_174, %multiple_of3A_162] : memref<32x1000000xf32, #tpu.memory_space<hbm>> -> memref<32x128xf32, #tpu.memory_space<hbm>>
    tpu.enqueue_dma source(%dma_start3A_175 : memref<32x128xf32, #tpu.memory_space<hbm>>) target(%dma_start3A_173 : memref<32x128xf32, #tpu.memory_space<vmem>>) target_semaphore(%arg8 : memref<!tpu.dma_semaphore, #tpu.memory_space<semaphore_mem>>)
    %scan3A = arith.constant 0 : i32
    %scan3A_176 = arith.constant 0 : i32
    %scan3A_177 = arith.constant 512 : i32
    %scan3A_178 = arith.addi %scan3A_176, %scan3A_177 : i32
    %scan3A_179 = arith.constant 1 : i32
    scf.for %scan3A_181 = %scan3A_176 to %scan3A_178 step %scan3A_179  : i32 {
      %rem3A = arith.constant 8 : i32
      %rem3A_182 = arith.remsi %scan3A_181, %rem3A : i32
      %dma_wait3A = arith.constant 0 : i32
      %dma_wait3A_183 = arith.constant 0 : i32
      %dma_wait3A_184 = tpu.memref_slice %arg6[%rem3A_182, %dma_wait3A, %dma_wait3A_183] : memref<8x32x128xf32, #tpu.memory_space<vmem>> -> memref<1x32x128xf32, #tpu.memory_space<vmem>>
      %dma_wait3A_185 = tpu.memref_squeeze %dma_wait3A_184 : memref<1x32x128xf32, #tpu.memory_space<vmem>> -> memref<32x128xf32, #tpu.memory_space<vmem>>
      %dma_wait3A_186 = arith.constant 0 : i32
      %dma_wait3A_187 = arith.constant 0 : i32
      %dma_wait3A_188 = tpu.memref_slice %arg3[%dma_wait3A_186, %dma_wait3A_187] : memref<32x1000000xf32, #tpu.memory_space<hbm>> -> memref<32x128xf32, #tpu.memory_space<hbm>>
      %dma_wait3A_189 = arith.constant 0 : i32
      %dma_wait3A_190 = arith.constant 0 : i32
      %dma_wait3A_191 = tpu.memref_slice %arg6[%rem3A_182, %dma_wait3A_189, %dma_wait3A_190] : memref<8x32x128xf32, #tpu.memory_space<vmem>> -> memref<1x32x128xf32, #tpu.memory_space<vmem>>
      %dma_wait3A_192 = tpu.memref_squeeze %dma_wait3A_191 : memref<1x32x128xf32, #tpu.memory_space<vmem>> -> memref<32x128xf32, #tpu.memory_space<vmem>>
      %dma_wait3A_193 = arith.constant 0 : i32
      %dma_wait3A_194 = arith.constant 0 : i32
      %dma_wait3A_195 = tpu.memref_slice %arg3[%dma_wait3A_193, %dma_wait3A_194] : memref<32x1000000xf32, #tpu.memory_space<hbm>> -> memref<32x128xf32, #tpu.memory_space<hbm>>
      tpu.wait_dma2 semaphore(%arg8 : memref<!tpu.dma_semaphore, #tpu.memory_space<semaphore_mem>>) src(%dma_wait3A_195 : memref<32x128xf32, #tpu.memory_space<hbm>>) dst(%dma_wait3A_192 : memref<32x128xf32, #tpu.memory_space<vmem>>)
      %get3A_196 = arith.index_cast %scan3A_181 : i32 to index
      %get3A_197 = tpu.vector_load %arg5[%get3A_196] {strides = array<i32>} : memref<528xi32, #tpu.memory_space<vmem>>, vector<16xi32>,
      %slice3A_198 = vector.extract_strided_slice %get3A_197 {offsets = [0], sizes = [1], strides = [1]} : vector<16xi32> to vector<1xi32>
      %squeeze3A_199 = vector.extract %slice3A_198[0] : i32 from vector<1xi32>
      %and3A = arith.constant 127 : i32
      %and3A_200 = arith.andi %squeeze3A_199, %and3A : i32
      %broadcast_in_dim3A = vector.broadcast %and3A_200 : i32 to vector<16xi32>
      %broadcast_in_dim3A_201 = vector.broadcast %rem3A_182 : i32 to vector<16xi32>
      %broadcast_in_dim3A_202 = vector.broadcast %scan3A_181 : i32 to vector<16xi32>
      %gather3A = tpu.vector_load_idx %arg6[%broadcast_in_dim3A_201, %iota3A, %broadcast_in_dim3A] : memref<8x32x128xf32, #tpu.memory_space<vmem>>[vector<16xi32>, vector<16xi32>, vector<16xi32>], vector<16xf32>,
      %gather3A_203 = tpu.vector_load_idx %arg6[%broadcast_in_dim3A_201, %add3A_5, %broadcast_in_dim3A] : memref<8x32x128xf32, #tpu.memory_space<vmem>>[vector<16xi32>, vector<16xi32>, vector<16xi32>], vector<16xf32>,
      tpu.vector_store_idx %arg7[%iota3A, %broadcast_in_dim3A_202], %gather3A : memref<32x512xf32, #tpu.memory_space<vmem>>[vector<16xi32>, vector<16xi32>], vector<16xf32>,
      tpu.vector_store_idx %arg7[%add3A_5, %broadcast_in_dim3A_202], %gather3A_203 : memref<32x512xf32, #tpu.memory_space<vmem>>[vector<16xi32>, vector<16xi32>], vector<16xf32>,
      %add3A_204 = arith.constant 8 : i32
      %add3A_205 = arith.addi %scan3A_181, %add3A_204 : i32
      %lt3A = arith.constant 512 : i32
      %lt3A_206 = arith.cmpi slt, %add3A_205, %lt3A : i32
      %convert_element_type3A = arith.extui %lt3A_206 : i1 to i32
      %cond3A = arith.constant 0 : i32
      %cond3A_207 = arith.cmpi ne, %convert_element_type3A, %cond3A : i32
      scf.if %cond3A_207 {
        %add3A_208 = arith.constant 8 : i32
        %add3A_209 = arith.addi %scan3A_181, %add3A_208 : i32
        %get3A_210 = arith.index_cast %add3A_209 : i32 to index
        %get3A_211 = tpu.vector_load %arg5[%get3A_210] {strides = array<i32>} : memref<528xi32, #tpu.memory_space<vmem>>, vector<16xi32>,
        %slice3A_212 = vector.extract_strided_slice %get3A_211 {offsets = [0], sizes = [1], strides = [1]} : vector<16xi32> to vector<1xi32>
        %squeeze3A_213 = vector.extract %slice3A_212[0] : i32 from vector<1xi32>
        %shift_right_arithmetic3A_214 = arith.constant 7 : i32
        %shift_right_arithmetic3A_215 = arith.shrsi %squeeze3A_213, %shift_right_arithmetic3A_214 : i32
        %mul3A_216 = arith.constant 128 : i32
        %mul3A_217 = arith.muli %shift_right_arithmetic3A_215, %mul3A_216 : i32
        %multiple_of3A_218 = tpu.assume_multiple %mul3A_217, 128 : i32
        %dma_start3A_219 = arith.constant 0 : i32
        %dma_start3A_220 = arith.constant 0 : i32
        %dma_start3A_221 = tpu.memref_slice %arg6[%rem3A_182, %dma_start3A_219, %dma_start3A_220] : memref<8x32x128xf32, #tpu.memory_space<vmem>> -> memref<1x32x128xf32, #tpu.memory_space<vmem>>
        %dma_start3A_222 = tpu.memref_squeeze %dma_start3A_221 : memref<1x32x128xf32, #tpu.memory_space<vmem>> -> memref<32x128xf32, #tpu.memory_space<vmem>>
        %dma_start3A_223 = arith.constant 0 : i32
        %dma_start3A_224 = tpu.memref_slice %arg3[%dma_start3A_223, %multiple_of3A_218] : memref<32x1000000xf32, #tpu.memory_space<hbm>> -> memref<32x128xf32, #tpu.memory_space<hbm>>
        %dma_start3A_225 = arith.constant 0 : i32
        %dma_start3A_226 = arith.constant 0 : i32
        %dma_start3A_227 = tpu.memref_slice %arg6[%rem3A_182, %dma_start3A_225, %dma_start3A_226] : memref<8x32x128xf32, #tpu.memory_space<vmem>> -> memref<1x32x128xf32, #tpu.memory_space<vmem>>
        %dma_start3A_228 = tpu.memref_squeeze %dma_start3A_227 : memref<1x32x128xf32, #tpu.memory_space<vmem>> -> memref<32x128xf32, #tpu.memory_space<vmem>>
        %dma_start3A_229 = arith.constant 0 : i32
        %dma_start3A_230 = tpu.memref_slice %arg3[%dma_start3A_229, %multiple_of3A_218] : memref<32x1000000xf32, #tpu.memory_space<hbm>> -> memref<32x128xf32, #tpu.memory_space<hbm>>
        tpu.enqueue_dma source(%dma_start3A_230 : memref<32x128xf32, #tpu.memory_space<hbm>>) target(%dma_start3A_228 : memref<32x128xf32, #tpu.memory_space<vmem>>) target_semaphore(%arg8 : memref<!tpu.dma_semaphore, #tpu.memory_space<semaphore_mem>>)
      } else {
      }
    }
    %scan3A_180 = arith.constant 512 : i32
    "tpu.region"() ({
      %run_scoped3A = tpu.sem_alloc : memref<!tpu.dma_semaphore, #tpu.memory_space<semaphore_mem>>
      %dma_start3A_181 = arith.constant 0 : i32
      %dma_start3A_182 = tpu.memref_slice %arg4[%dma_start3A_181, %mul3A_2] : memref<32x16384xf32, #tpu.memory_space<hbm>> -> memref<32x512xf32, #tpu.memory_space<hbm>>
      %dma_start3A_183 = arith.constant 0 : i32
      %dma_start3A_184 = tpu.memref_slice %arg4[%dma_start3A_183, %mul3A_2] : memref<32x16384xf32, #tpu.memory_space<hbm>> -> memref<32x512xf32, #tpu.memory_space<hbm>>
      tpu.enqueue_dma source(%arg7 : memref<32x512xf32, #tpu.memory_space<vmem>>) target(%dma_start3A_184 : memref<32x512xf32, #tpu.memory_space<hbm>>) target_semaphore(%run_scoped3A : memref<!tpu.dma_semaphore, #tpu.memory_space<semaphore_mem>>)
      %dma_wait3A = arith.constant 0 : i32
      %dma_wait3A_185 = tpu.memref_slice %arg4[%dma_wait3A, %mul3A_2] : memref<32x16384xf32, #tpu.memory_space<hbm>> -> memref<32x512xf32, #tpu.memory_space<hbm>>
      %dma_wait3A_186 = arith.constant 0 : i32
      %dma_wait3A_187 = tpu.memref_slice %arg4[%dma_wait3A_186, %mul3A_2] : memref<32x16384xf32, #tpu.memory_space<hbm>> -> memref<32x512xf32, #tpu.memory_space<hbm>>
      tpu.wait_dma2 semaphore(%run_scoped3A : memref<!tpu.dma_semaphore, #tpu.memory_space<semaphore_mem>>) src(%arg7 : memref<32x512xf32, #tpu.memory_space<vmem>>) dst(%dma_wait3A_187 : memref<32x512xf32, #tpu.memory_space<hbm>>)
      tpu.yield
    }) : () -> ()
    return
  }
}

</mosaic_0001>

<sc_bundles>
// kernel: kernel.3.cloned.1.call-start
scs
__scs_entry_jumppad:
0x0: {  	(pc) =	sbr.rel $0x88, $3  }
0x1: {  	(tag) =	ssettag $0x0;
	lr =	simm.s32 $0x1  }
0x2: {  	[smem:$0x3F9F] =	sst lr;
	_ =	strace $0xD0000000  }
0x3: {  	_ = 	snop  }
0x4: {  	_ = 	snop  }
0x5: {  	_ = 	snop  }
0x6: {  	_ = 	snop  }
0x7: {  	_ = 	snop  }
__scs_overlays_trampoline_lowered:
0x8: {  	[smem:$0x3FAE] =	sst s0  }
0x9: {  	[smem:$0x3FAF] =	sst s1  }
0xa: {  	[smem:$0x3FB0] =	sst s2  }
0xb: {  	[smem:$0x3FB1] =	sst s3  }
0xc: {  	[smem:$0x3FB2] =	sst s4  }
0xd: {  	[smem:$0x3FB3] =	sst s5  }
0xe: {  	[smem:$0x3FB4] =	sst s6  }
0xf: {  	[smem:$0x3FB5] =	sst s7  }
0x10: {  	[smem:$0x3FB6] =	sst s8  }
0x11: {  	[smem:$0x3FB7] =	sst s9;
	s0 =	simm.s32 @!p0 $0x0  }
0x12: {  	s1 =	sld [smem:$0x3F9D];
	s0 =	simm.s32 @p0 $0x1  }
0x13: {  	[smem:$0x3FB8] =	sst s0;
	s0 =	simm.s32 @!p1 $0x0  }
0x14: {  	s2 =	sld [smem:$0x3F9C];
	s0 =	simm.s32 @p1 $0x1  }
0x15: {  	[smem:$0x3FB9] =	sst s0;
	s0 =	simm.s32 @!p2 $0x0  }
0x16: {  	s3 =	sld [smem:$0x3FDB];
	s0 =	simm.s32 @p2 $0x1  }
0x17: {  	s4 =	simm.s32 $0x1BF5;
	[smem:$0x3FBB] =	sst s0  }
0x18: {  	s0 =	sld [smem:$0x3F9E];
	_ =	swait.ge [sflag:s4], $0x0  }
0x19: {  	s7 =	sld [smem:$0x3F9F]  }
0x1a: {  	s8 =	sadd.s32 $0xFFFFE003, lr  }
0x1b: {  	s9 =	sadd.s32 $0xFFFFFEF7, lr;
	s5 =	simm.s32 $0xFFFFFFFF;
	p2 =	slt.u32 s8, $0xFFFFF086  }
0x1c: {  	p1 =	slt.u32 s9, $0xF7A;
	s5 =	simm.s32 @!p2 $0x0  }
0x1d: {  	s5 =	simm.s32 @p1 $0x1;
	p0 =	seq.s32 s7, s2  }
0x1e: {  	s7 =	smul.u32 @!p0 $0xF7A, s2;
	p2 =	seq.s32 @!p0 s5, $0x0  }
0x1f: {  	s9 =	smul.u32 $0xF7A, s1;
	s8 =	simm.s32 @!p0 $0x1BF5;
	p2 =	por !p2, p0  }
0x20: {  	[sflag:s8] =	ssyncset.s32 @!p0 $0xFFFFF086;
	s6 =	sadd.s32 @!p0 s3, s7;
	s7 =	simm.s32 @!p0 $0x108  }
0x21: {  	s3 =	sadd.s32 s3, s9;
	s6 =	sadd.s32 @!p0 $0x88, s6;
	s7 =	simm.s32 @p2 $0x1082  }
0x22: {  	[simem:s7], [sflag:s8] =	dma.local @!p0 [hbm:s6], $0xF7A  }
0x23: {  	s9 =	sor.u32 $0xD0000000, s2;
	s6 =	simm.s32 $0x108;
	_ =	swait.ge @!p0 [sflag:s8], $0x0  }
0x24: {  	s3 =	sadd.s32 $0x88, s3;
	s6 =	simm.s32 @!p1 $0x1082;
	[sflag:s4] =	ssyncset.s32 $0xFFFFF086  }
0x25: {  	[simem:s6], [sflag:s4] =	dma.local [hbm:s3], $0xF7A  }
0x26: {  	[smem:$0x3F9F] =	sst s1;
	(tag) =	ssettag s2;
	_ =	strace s9  }
0x27: {  	s1 =	sld [smem:$0x3FAF]  }
0x28: {  	s2 =	sld [smem:$0x3FB0]  }
0x29: {  	s4 =	sld [smem:$0x3FB2]  }
0x2a: {  	p0 =	seq.s32 s5, $0x0;
	s5 =	sld [smem:$0x3FB3]  }
0x2b: {  	s6 =	sld [smem:$0x3FB4]  }
0x2c: {  	s7 =	sld [smem:$0x3FB5]  }
0x2d: {  	s3 =	simm.s32 $0x108;
	s8 =	sld [smem:$0x3FB6]  }
0x2e: {  	s3 =	simm.s32 @!p0 $0x1082;
	s9 =	sld [smem:$0x3FB7]  }
0x2f: {  	lr =	sadd.s32 s0, s3;
	s0 =	sld [smem:$0x3FAE]  }
0x30: {  	s3 =	sld [smem:$0x3FB1]  }
0x31: {  	[smem:$0x3FBA] =	sst s10  }
0x32: {  	s10 =	sld [smem:$0x3FB8];
	_ =	sdelay $0x3  }
0x33: {  	p0 =	seq.s32 s10, $0x1;
	s10 =	sld [smem:$0x3FBA];
	_ =	sdelay $0x3  }
0x34: {  	[smem:$0x3FBA] =	sst s10  }
0x35: {  	s10 =	sld [smem:$0x3FB9];
	_ =	sdelay $0x3  }
0x36: {  	p1 =	seq.s32 s10, $0x1;
	s10 =	sld [smem:$0x3FBA];
	_ =	sdelay $0x3  }
0x37: {  	[smem:$0x3FBA] =	sst s10  }
0x38: {  	s10 =	sld [smem:$0x3FBB]  }
0x39: {  	_ = 	snop;
	(pc) =	sbr.ind lr, $3  }
0x3a: {  	_ = 	snop  }
0x3b: {  	_ = 	snop  }
0x3c: {  	p2 =	seq.s32 s10, $0x1;
	s10 =	sld [smem:$0x3FBA]  }
0x3d: {  	_ =	shalt  }
0x3e: {  	_ =	shalt  }
0x3f: {  	_ =	shalt  }
0x40: {  	_ =	shalt  }
0x41: {  	_ =	shalt  }
0x42: {  	_ =	shalt  }
0x43: {  	_ =	shalt  }
0x44: {  	_ =	shalt  }
0x45: {  	_ =	shalt  }
0x46: {  	_ =	shalt  }
0x47: {  	_ =	shalt  }
0x48: {  	_ =	shalt  }
0x49: {  	_ =	shalt  }
0x4a: {  	_ =	shalt  }
0x4b: {  	_ =	shalt  }
0x4c: {  	_ =	shalt  }
0x4d: {  	_ =	shalt  }
0x4e: {  	_ =	shalt  }
0x4f: {  	_ =	shalt  }
0x50: {  	_ =	shalt  }
0x51: {  	_ =	shalt  }
0x52: {  	_ =	shalt  }
0x53: {  	_ =	shalt  }
0x54: {  	_ =	shalt  }
0x55: {  	_ =	shalt  }
0x56: {  	_ =	shalt  }
0x57: {  	_ =	shalt  }
0x58: {  	_ =	shalt  }
0x59: {  	_ =	shalt  }
0x5a: {  	_ =	shalt  }
0x5b: {  	_ =	shalt  }
0x5c: {  	_ =	shalt  }
0x5d: {  	_ =	shalt  }
0x5e: {  	_ =	shalt  }
0x5f: {  	_ =	shalt  }
0x60: {  	_ =	shalt  }
0x61: {  	_ =	shalt  }
0x62: {  	_ =	shalt  }
0x63: {  	_ =	shalt  }
0x64: {  	_ =	shalt  }
0x65: {  	_ =	shalt  }
0x66: {  	_ =	shalt  }
0x67: {  	_ =	shalt  }
0x68: {  	_ =	shalt  }
0x69: {  	_ =	shalt  }
0x6a: {  	_ =	shalt  }
0x6b: {  	_ =	shalt  }
0x6c: {  	_ =	shalt  }
0x6d: {  	_ =	shalt  }
0x6e: {  	_ =	shalt  }
0x6f: {  	_ =	shalt  }
0x70: {  	_ =	shalt  }
0x71: {  	_ =	shalt  }
0x72: {  	_ =	shalt  }
0x73: {  	_ =	shalt  }
0x74: {  	_ =	shalt  }
0x75: {  	_ =	shalt  }
0x76: {  	_ =	shalt  }
0x77: {  	_ =	shalt  }
0x78: {  	_ =	shalt  }
0x79: {  	_ =	shalt  }
0x7a: {  	_ =	shalt  }
0x7b: {  	_ =	shalt  }
0x7c: {  	_ =	shalt  }
0x7d: {  	_ =	shalt  }
0x7e: {  	_ =	shalt  }
0x7f: {  	_ =	shalt  }
0x80: {  	_ =	shalt  }
0x81: {  	_ =	shalt  }
0x82: {  	_ =	shalt  }
0x83: {  	_ =	shalt  }
0x84: {  	_ =	shalt  }
0x85: {  	_ =	shalt  }
0x86: {  	_ =	shalt  }
0x87: {  	_ =	shalt  }
.Lfunc_end0:
.L_simem_size_0:
called_computation_lowered:
.L_overlay_start_0:
0x88: {  	s2 =	sld [smem:$0x3FD9]  }
0x89: {  	s3 =	sld [smem:$0x3FFE];
	_ =	sdelay $0x1  }
0x8a: {  	s1 =	srdreg.scid  }
0x8b: {  	s0 =	sand.u32 $0x1, s1  }
0x8c: {  	s18 =	sshll.u32 s0, $0xA;
	s2 =	sadd.s32 s3, s2  }
0x8d: {  	s2 =	sadd.s32 s2, s18  }
0x8e: {  	[smem:$0x3FC6] =	sst s2  }
0x8f: {  	_ = 	snop  }
0x90: {  	s2 =	sld [smem:$0x3FC9]  }
0x91: {  	s19 =	sld [smem:$0x3FC8]  }
0x92: {  	s4 =	sld [smem:$0x3FD0];
	(tm) =	ssettm $0x1  }
0x93: {  	s5 =	sld [smem:$0x3FFB];
	_ =	sdelay $0x3  }
0x94: {  	_ =	strace s5  }
0x95: {  	s5 =	sld [smem:$0x3FFC];
	_ =	sdelay $0x3  }
0x96: {  	_ =	strace s5  }
0x97: {  	s5 =	sld [smem:$0x3FFD];
	_ =	sdelay $0x3  }
0x98: {  	_ =	strace s5  }
0x99: {  	_ =	strace $0x8FFFFFFF  }
0x9a: {  	s20 =	sld [smem:$0x3FDB];
	_ =	sdelay $0x1  }
0x9b: {  	s6 =	simm.s32 $_scs_section_size  }
0x9c: {  	s7 =	simm.s32 $_size__tile_overlayer_lowered;
	s8 =	simm.s32 $_tile_overlayer_lowered  }
0x9d: {  	s23 =	simm.s32 $0x1BFF;
	s22 =	sshll.u32 s8, $0x1;
	s5 =	sadd.s32 s6, s20  }
0x9e: {  	s9 =	simm.s32 $0x0;
	s21 =	sshll.u32 s7, $0x1;
	s7 =	sadd.s32 s22, s5  }
0x9f: {  	[timem:s9], [sflag:s23] =	dma.local [hbm:s7], s21  }
0xa0: {  	_ =	swait.ge [sflag:s23], s21  }
0xa1: {  	s6 =	ssub.s32 $0x0, s21;
	[sflag:s23] =	ssyncset.done $0x0  }
0xa2: {  	[sflag:s23] =	ssyncadd.s32 s6;
	_ =	sdelay $0x1  }
0xa3: {  	s24 =	simm.s32 $0x1B8B  }
0xa4: {  	_ =	swait.ge [sflag:s24], $0x1  }
0xa5: {  	[sflag:s24] =	ssyncset.done $0x0  }
0xa6: {  	s25 =	simm.s32 $0x1B8E;
	[sflag:s24] =	ssyncadd.s32 $0xFFFFFFFF  }
0xa7: {  	s26 =	simm.s32 $execute0_lowered;
	[smem:$0x3FD2] =	sst s25  }
0xa8: {  	s6 =	sshll.u32 s26, $0x1;
	_ =	strace $0x80000046;
	[dreg:$0x1] =	wrdreg $0xFFFFFFFF  }
0xa9: {  	s28 =	simm.s32 $_size_execute0_lowered;
	s5 =	sadd.s32 s5, s6;
	[dreg:$0x0] =	wrdreg $0x0  }
0xaa: {  	s6 =	sshll.u32 s28, $0x1;
	[dreg:$0x2] =	wrdreg s5  }
0xab: {  	[dreg:$0x3] =	wrdreg s6  }
0xac: {  	[dreg:$0x4] =	wrdreg $0xC0  }
0xad: {  	_ =	task [dreg:s9], $0x5FFFF  }
0xae: {  	[dreg:$0x1] =	wrdreg $0xFFFFFFFF  }
0xaf: {  	[dreg:$0x0] =	wrdreg $0x60  }
0xb0: {  	[dreg:$0x2] =	wrdreg s2  }
0xb1: {  	[dreg:$0x3] =	wrdreg s19  }
0xb2: {  	[dreg:$0x4] =	wrdreg s4  }
0xb3: {  	[dreg:$0x5] =	wrdreg $0x9  }
0xb4: {  	_ =	task.clear_ibuf [dreg:s9], $0x6FFFF;
	_ =	strace $0x90000046  }
0xb5: {  	s29 =	simm.s32 $0x9;
	_ =	strace $0x80000048  }
0xb6: {  	_ =	swait.ge [sflag:s29], $0x1  }
0xb7: {  	[sflag:s29] =	ssyncadd.s32 $0xFFFFFFFF  }
0xb8: {  	_ =	strace $0x90000048  }
0xb9: {  	_ =	sfence  }
0xba: {  	s30 =	sld [smem:$0x0];
	_ =	sdelay $0x2  }
0xbb: {  	s31 =	sshll.u32 s1, $0xD;
	s1 =	sshrl.u32 s1, $0x2  }
0xbc: {  	s3 =	sand.u32 $0x4000, s31;
	s1 =	sadd.s32 s1, s30  }
0xbd: {  	s0 =	sor.u32 s3, s0;
	s1 =	sshll.u32 s1, $0x11  }
0xbe: {  	s0 =	sor.u32 s1, s0  }
0xbf: {  	s0 =	sadd.s32 $0x8F2B, s0  }
0xc0: {  	[sflag:s0] =	ssyncadd.remote.s32 $0x1  }
0xc1: {  	_ =	sfence.sel $0xFFFF  }
0xc2: {  	[dreg:$0x0] =	wrdreg $0xFFFFFFFF;
	(pc) =	sbr.abs _section_cstart, $3  }
0xc3: {  	[dreg:$0x1] =	wrdreg $0xFFFFFFFF  }
0xc4: {  	_ =	task.clear_ibuf [dreg:s9], $0x2FFFF;
	_ =	strace $0x9FFFFFFF  }
0xc5: {  	(tm) =	ssettm $0x7FFFFFFF  }
tec
execute0_lowered:
.L_overlay_start_1:
0x0: {  	(tag) =	ssettag $0x1  }
0x1: {  	v0 =	vlaneseq.u32;
	v1 =	vimm.s32 $0x1380  }
0x2: {  	vm0 =	vcmask $0x300;
	v2 =	vimm.s32 $0x3380;
	vm1 =	vcmask $0x704  }
0x3: {  	vm15 =	vcmask $0xB08;
	v1 =	vsel vm0, $0x0, v1;
	v2 =	vsel vm0, $0x2000, v2  }
0x4: {  	vm4 =	vcmask $0xF0C;
	v1 =	vsel vm1, $0x80, v1;
	v2 =	vsel vm1, $0x2080, v2  }
0x5: {  	s4 =	rddreg [dreg:$0x0];
	vm5 =	vcmask $0x1310;
	v1 =	vsel vm15, $0x100, v1;
	v2 =	vsel vm15, $0x2100, v2  }
0x6: {  	s0 =	rddreg [dreg:$0x1];
	s2 =	srdreg.scid;
	vm6 =	vcmask $0x1714;
	v1 =	vsel vm4, $0x180, v1;
	v2 =	vsel vm4, $0x2180, v2  }
0x7: {  	s5 =	rddreg [dreg:$0x2];
	s1 =	stileid.u32;
	vm7 =	vcmask $0x1B18;
	s3 =	simm.s32 $0x0;
	v1 =	vsel vm5, $0x200, v1;
	v2 =	vsel vm5, $0x2200, v2  }
0x8: {  	vm8 =	vcmask $0x1F1C;
	s10 =	simm.s32 $0x280;
	s11 =	simm.s32 $0x1280;
	s12 =	simm.s32 $0x2280;
	v1 =	vsel vm6, $0x280, v1;
	v2 =	vsel vm6, $0x2280, v2  }
0x9: {  	vm9 =	vcmask $0x2320;
	s13 =	simm.s32 $0x3280;
	s14 =	simm.s32 $0x4280;
	s15 =	simm.s32 $0x5280;
	v1 =	vsel vm7, $0x300, v1;
	v2 =	vsel vm7, $0x2300, v2  }
0xa: {  	vm10 =	vcmask $0x2724;
	s16 =	simm.s32 $0x6280;
	s17 =	simm.s32 $0x7280;
	s18 =	simm.s32 $0x1;
	v1 =	vsel vm8, $0x380, v1;
	v2 =	vsel vm8, $0x2380, v2  }
0xb: {  	vm11 =	vcmask $0x2B28;
	s19 =	simm.s32 $0x8280;
	s20 =	simm.s32 $0x1000;
	s21 =	simm.s32 $0x20000;
	v1 =	vsel vm9, $0x1000, v1;
	v2 =	vsel vm9, $0x3000, v2  }
0xc: {  	vm12 =	vcmask $0x2F2C;
	s22 =	simm.s32 $0x0;
	s6 =	sand.u32 $0x1, s2;
	s2 =	rddreg [dreg:$0x3];
	v1 =	vsel vm10, $0x1080, v1;
	v2 =	vsel vm10, $0x3080, v2  }
0xd: {  	vm13 =	vcmask $0x3330;
	s7 =	sshll.u32 s1, $0xA;
	[smem:$0x7FF] =	sst s3;
	s8 =	sshll.u32 s6, $0x9;
	v1 =	vsel vm11, $0x1100, v1;
	v2 =	vsel vm11, $0x3100, v2  }
0xe: {  	vm14 =	vcmask $0x3734;
	s6 =	ssub.s32 $0x2, s6;
	_ =	strace $0x80000047;
	s7 =	sor.u32 s8, s7;
	v1 =	vsel vm12, $0x1180, v1;
	v2 =	vsel vm12, $0x3180, v2  }
0xf: {  	v0 =	vmul.u32 $0x80, v0;
	s31 =	sshrl.u32 s6, $0x1;
	s8 =	simm.s32 $0x2;
	s9 =	sshrl.u32 s7, $0x3;
	v1 =	vsel vm13, $0x1200, v1;
	v2 =	vsel vm13, $0x3200, v2  }
0x10: {  	vm15 =	vcmask $0x3B38;
	s6 =	ssub.s32 s6, s31;
	s5 =	sadd.s32 s5, s7;
	s7 =	simm.s32 $0x400;
	v3 =	vsel vm14, $0x1280, v1;
	v4 =	vsel vm14, $0x3280, v2  }
0x11: {  	s4 =	sadd.s32 s4, s9;
	s6 =	smax.u32 s6, $0x1;
	s9 =	simm.s32 $0x7A1400;
	v1 =	vor.u32 $0x800, v0;
	v2 =	vsel vm15, $0x1300, v3;
	v3 =	vsel vm15, $0x3300, v4  }
.LBB2_1:
0x12: {  	[tilespmem:s3], [sflag:$0x2] =	stream.linear.gather [hbm4b:s4+s3], $0x200, $0x38;
	[tilespmem:$0xC280] =	vst v63  }
0x13: {  	_ =	swait.ge [sflag:s8], $0x200  }
0x14: {  	[sflag:s8] =	ssyncset.done $0x0  }
0x15: {  	[sflag:s8] =	ssyncadd.s32 $0xFFFFFE00  }
0x16: {  	v4 =	vld [tilespmem:$0x0];
	_ =	sdelay $0x4  }
0x17: {  	(v2sf) =	vpush v4, $0x0;
	_ =	sdelay $0xe  }
0x18: {  	s23 =	spop (v2sf)  }
0x19: {  	s23 =	sand.u32 $0xFFFFF80, s23  }
0x1a: {  	s23 =	sadd.s32 s0, s23  }
0x1b: {  	[tilespmem:s10], [sflag:$0x1] =	stream.strided.gather [hbm4b:s23+s7], $0x1000, s9, s7, $0x38;
	[tilespmem:$0xC280] =	vst v63  }
0x1c: {  	v4 =	vld [tilespmem:$0x1];
	_ =	sdelay $0x4  }
0x1d: {  	(v2sf) =	vpush v4, $0x0;
	_ =	sdelay $0xe  }
0x1e: {  	s30 =	spop (v2sf)  }
0x1f: {  	s23 =	sand.u32 $0xFFFFF80, s30  }
0x20: {  	s23 =	sadd.s32 s0, s23  }
0x21: {  	[tilespmem:s11], [sflag:$0x1] =	stream.strided.gather [hbm4b:s23+s7], $0x1000, s9, s7, $0x38;
	[tilespmem:$0xC280] =	vst v63  }
0x22: {  	v4 =	vld [tilespmem:$0x2];
	_ =	sdelay $0x4  }
0x23: {  	(v2sf) =	vpush v4, $0x0;
	_ =	sdelay $0xe  }
0x24: {  	s31 =	spop (v2sf)  }
0x25: {  	s23 =	sand.u32 $0xFFFFF80, s31  }
0x26: {  	s23 =	sadd.s32 s0, s23  }
0x27: {  	[tilespmem:s12], [sflag:$0x1] =	stream.strided.gather [hbm4b:s23+s7], $0x1000, s9, s7, $0x38;
	[tilespmem:$0xC280] =	vst v63  }
0x28: {  	v4 =	vld [tilespmem:$0x3];
	_ =	sdelay $0x4  }
0x29: {  	(v2sf) =	vpush v4, $0x0;
	_ =	sdelay $0xe  }
0x2a: {  	s24 =	spop (v2sf)  }
0x2b: {  	s23 =	sand.u32 $0xFFFFF80, s24  }
0x2c: {  	s23 =	sadd.s32 s0, s23  }
0x2d: {  	[tilespmem:s13], [sflag:$0x1] =	stream.strided.gather [hbm4b:s23+s7], $0x1000, s9, s7, $0x38;
	[tilespmem:$0xC280] =	vst v63  }
0x2e: {  	v4 =	vld [tilespmem:$0x4];
	_ =	sdelay $0x4  }
0x2f: {  	(v2sf) =	vpush v4, $0x0;
	_ =	sdelay $0xe  }
0x30: {  	s25 =	spop (v2sf)  }
0x31: {  	s23 =	sand.u32 $0xFFFFF80, s25  }
0x32: {  	s23 =	sadd.s32 s0, s23  }
0x33: {  	[tilespmem:s14], [sflag:$0x1] =	stream.strided.gather [hbm4b:s23+s7], $0x1000, s9, s7, $0x38;
	[tilespmem:$0xC280] =	vst v63  }
0x34: {  	v4 =	vld [tilespmem:$0x5];
	_ =	sdelay $0x4  }
0x35: {  	(v2sf) =	vpush v4, $0x0;
	_ =	sdelay $0xe  }
0x36: {  	s26 =	spop (v2sf)  }
0x37: {  	s23 =	sand.u32 $0xFFFFF80, s26  }
0x38: {  	s23 =	sadd.s32 s0, s23  }
0x39: {  	[tilespmem:s15], [sflag:$0x1] =	stream.strided.gather [hbm4b:s23+s7], $0x1000, s9, s7, $0x38;
	[tilespmem:$0xC280] =	vst v63  }
0x3a: {  	v4 =	vld [tilespmem:$0x6];
	_ =	sdelay $0x4  }
0x3b: {  	(v2sf) =	vpush v4, $0x0;
	_ =	sdelay $0xe  }
0x3c: {  	s30 =	spop (v2sf)  }
0x3d: {  	s23 =	sand.u32 $0xFFFFF80, s30  }
0x3e: {  	s23 =	sadd.s32 s0, s23  }
0x3f: {  	[tilespmem:s16], [sflag:$0x1] =	stream.strided.gather [hbm4b:s23+s7], $0x1000, s9, s7, $0x38;
	[tilespmem:$0xC280] =	vst v63  }
0x40: {  	v4 =	vld [tilespmem:$0x7];
	_ =	sdelay $0x4  }
0x41: {  	(v2sf) =	vpush v4, $0x0;
	_ =	sdelay $0xe  }
0x42: {  	s31 =	spop (v2sf)  }
0x43: {  	s23 =	sand.u32 $0xFFFFF80, s31  }
0x44: {  	s23 =	sadd.s32 s0, s23  }
0x45: {  	[tilespmem:s17], [sflag:$0x1] =	stream.strided.gather [hbm4b:s23+s7], $0x1000, s9, s7, $0x38;
	[tilespmem:$0xC280] =	vst v63  }
0x46: {  	_ =	swait.ge [sflag:s18], $0x1000  }
0x47: {  	[sflag:s18] =	ssyncset.done $0x0  }
0x48: {  	s23 =	simm.s32 $0x8;
	[sflag:s18] =	ssyncadd.s32 $0xFFFFF000  }
0x49: {  	v4 =	vld [tilespmem:s23+$0xFFFFFFF8];
	_ =	sdelay $0x4  }
0x4a: {  	(v2sf) =	vpush v4, $0x0;
	_ =	sdelay $0xe  }
0x4b: {  	s24 =	sand.u32 $0x7, s3;
	s25 =	spop (v2sf)  }
0x4c: {  	s26 =	sshll.u32 s24, $0xC;
	s25 =	sand.u32 $0x7F, s25  }
0x4d: {  	s25 =	sor.u32 s26, s25  }
0x4e: {  	v4 =	vor.u32 s25, v0  }
0x4f: {  	v6 =	vmov s3;
	v5 =	vor.u32 s25, v1  }
0x50: {  	v7 =	vshll.u32 v6, $0x3  }
0x51: {  	v6 =	vand.u32 $0x7F, v6;
	v7 =	vand.u32 $0xC00, v7  }
0x52: {  	v6 =	vor.u32 v6, v7  }
0x53: {  	v7 =	vor.u32 v2, v6;
	v4 =	vld.idx.msk [tilespmem:v4+s10+$0x0], $0xffff  }
0x54: {  	v6 =	vor.u32 v3, v6;
	v5 =	vld.idx.msk [tilespmem:v5+s10+$0x0], $0xffff;
	_ =	sdelay $0x3  }
0x55: {  	[tilespmem:v7+s19+$0x0] =	vst.idx.msk $0xffff, v4  }
0x56: {  	p1 =	por $0x0, $0x0;
	[tilespmem:v6+s19+$0x0] =	vst.idx.msk $0xffff, v5  }
0x57: {  	v4 =	vld @!p1 [tilespmem:s23+$0x0];
	_ =	sdelay $0x4  }
0x58: {  	(v2sf) =	vpush @!p1 v4, $0x0;
	_ =	sdelay $0xe  }
0x59: {  	s29 =	simm.s32 @!p1 $0x400;
	s26 =	sshll.u32 @!p1 s24, $0xC;
	s25 =	spop @!p1 (v2sf)  }
0x5a: {  	s24 =	simm.s32 $0x9;
	s26 =	sor.u32 @!p1 $0x280, s26;
	s28 =	sand.u32 @!p1 $0xFFFFF80, s25  }
0x5b: {  	s23 =	simm.s32 $0x1;
	s25 =	simm.s32 @!p1 $0x7A1400;
	s28 =	sadd.s32 @!p1 s0, s28  }
.LBB2_2:
0x5c: {  	[tilespmem:s26], [sflag:$0x1] =	stream.strided.gather @!p1 [hbm4b:s28+s29], $0x1000, s25, s29, $0x38;
	[tilespmem:$0xC280] =	vst v63  }
0x5d: {  	s25 =	smov.u32 s23;
	s23 =	sadd.s32 $0x1, s23;
	_ =	swait.ge [sflag:s18], $0x1000  }
0x5e: {  	p0 =	sne.s32 s23, $0x200;
	[sflag:s18] =	ssyncset.done $0x0  }
0x5f: {  	[sflag:s18] =	ssyncadd.s32 $0xFFFFF000  }
0x60: {  	v4 =	vld [tilespmem:s24+$0xFFFFFFF8];
	_ =	sdelay $0x4  }
0x61: {  	(v2sf) =	vpush v4, $0x0;
	_ =	sdelay $0xe  }
0x62: {  	s26 =	sand.u32 $0x7, s25;
	p1 =	sgt.u32 s25, $0x1F7;
	s28 =	spop (v2sf)  }
0x63: {  	s29 =	sshll.u32 s26, $0xC;
	s26 =	sshll.u32 @!p1 s26, $0xC;
	s28 =	sand.u32 $0x7F, s28  }
0x64: {  	s28 =	sor.u32 s29, s28  }
0x65: {  	v4 =	vor.u32 s28, v0;
	v5 =	vor.u32 s28, v1;
	_ =	sdelay $0x1  }
0x66: {  	v6 =	vmov s25  }
0x67: {  	v7 =	vshll.u32 v6, $0x3  }
0x68: {  	v6 =	vand.u32 $0x7F, v6;
	v7 =	vand.u32 $0xC00, v7  }
0x69: {  	v6 =	vor.u32 v6, v7;
	v4 =	vld.idx.msk [tilespmem:v4+s10+$0x0], $0xffff  }
0x6a: {  	v7 =	vor.u32 v2, v6;
	v5 =	vld.idx.msk [tilespmem:v5+s10+$0x0], $0xffff  }
0x6b: {  	v6 =	vor.u32 v3, v6;
	_ =	sdelay $0x3  }
0x6c: {  	[tilespmem:v7+s19+$0x0] =	vst.idx.msk $0xffff, v4  }
0x6d: {  	[tilespmem:v6+s19+$0x0] =	vst.idx.msk $0xffff, v5  }
0x6e: {  	v4 =	vld @!p1 [tilespmem:s24+$0x0];
	_ =	sdelay $0x4  }
0x6f: {  	(v2sf) =	vpush @!p1 v4, $0x0;
	_ =	sdelay $0xc  }
.Ltmp0:
0x70: {  	(pc) =	sbr.rel @p0 .LBB2_2-.Ltmp0, $4  }
0x71: {  	_ = 	snop  }
0x72: {  	s25 =	spop @!p1 (v2sf)  }
0x73: {  	s24 =	sadd.s32 $0x1, s24;
	s28 =	sand.u32 @!p1 $0xFFFFF80, s25;
	s25 =	simm.s32 @!p1 $0x7A1400  }
0x74: {  	s26 =	sor.u32 @!p1 $0x280, s26;
	s29 =	simm.s32 @!p1 $0x400;
	s28 =	sadd.s32 @!p1 s0, s28  }
0x75: {  	[tilespmem:s26], [sflag:$0x1] =	stream.strided.gather @!p1 [hbm4b:s28+s29], $0x1000, s25, s29, $0x38;
	[tilespmem:$0xC280] =	vst v63  }
0x76: {  	s22 =	sadd.s32 $0x1, s22  }
0x77: {  	p0 =	sne.s32 s22, s6  }
.Ltmp1:
0x78: {  	_ = 	snop;
	(pc) =	sbr.rel @p0 .LBB2_1-.Ltmp1, $4  }
0x79: {  	[hbm4b:s5+s20] =	stream.strided.scatter [tilespmem:s19], [sflag:$0x2], $0x4000, s21, s20, $0x38;
	[tilespmem:$0xC280] =	vst v63  }
0x7a: {  	_ =	swait.ge [sflag:s8], $0x4000  }
0x7b: {  	[sflag:s8] =	ssyncset.done $0x0  }
0x7c: {  	[sflag:s8] =	ssyncadd.s32 $0xFFFFC000  }
0x7d: {  	_ =	sfence.sel $0x180000  }
0x7e: {  	[bflag:$0x0] =	sbarrier.arrive $0xFFFF  }
0x7f: {  	p0 =	sne.s32 s1, $0x0;
	_ =	strace $0x90000047  }
0x80: {  	s0 =	sadd.s32 @!p0 $0x100000, s2;
	[bflag:$0x2] =	sbarrier.arrive $0xFFFF  }
0x81: {  	[sflag:s0] =	ssyncadd.tile.s32 @!p0 $0x1;
	_ =	shalt  }
.Lfunc_end2:
_tile_overlayer_lowered:
.L_overlay_start_2:
0x82: {  	(tag) =	ssettag $0x2  }
0x83: {  	s0 =	rddreg [dreg:$0x0];
	s2 =	stileid.u32  }
0x84: {  	s1 =	rddreg [dreg:$0x1];
	p0 =	sne.s32 s2, $0x0  }
0x85: {  	s3 =	rddreg [dreg:$0x2];
	[bflag:$0x3] =	sbarrier.arrive $0xFFFF;
	s2 =	simm.s32 @!p0 $0x1C02  }
0x86: {  	[timem:s3], [sflag:s2] =	dma.local @!p0 [hbm:s0], s1  }
0x87: {  	s0 =	simm.s32 @!p0 $0x2  }
0x88: {  	_ =	swait.ge @!p0 [sflag:s0], s1  }
0x89: {  	s1 =	ssub.s32 @!p0 $0x0, s1;
	[sflag:s0] =	ssyncset.done @!p0 $0x0  }
0x8a: {  	[sflag:s0] =	ssyncadd.s32 @!p0 s1  }
0x8b: {  	[bflag:$0x3] =	sbarrier.arrive $0xFFFF  }
0x8c: {  	_ =	shalt  }

</sc_bundles>
